<compile_context>
chip_gen: v7x
topology: tpu7x:2x2x1
jax: 0.10.2.dev20260603
libtpu: 0.0.44.dev20260713+nightly
codegen_flags: <defaults>
</compile_context>

<pallas_src>
import functools

import jax
import jax.numpy as jnp
from jax import lax
from jax.experimental import pallas as pl
from jax.experimental.pallas import tpu as pltpu
from jax.experimental.pallas import tpu_sc as plsc

RANK = 128
TWOR = 2 * RANK
B = 4096
MAX_NB = 50
NC = 2
NS = 16
NW = NC * NS
QPW = B // NW

_MESH = dict(core_axis_name="c", subcore_axis_name="s",
             num_cores=NC, num_subcores=NS)


def _wid():
    return lax.axis_index("s") * NC + lax.axis_index("c")


def _sc_gather_body(i0, i1, i2, es, er, lhs_o, rel_o, rhs_o, idxv, rows, sem):
    base = _wid() * QPW
    sl = pl.ds(base, QPW)
    for idx_h, table, out_h in ((i0, es, lhs_o), (i1, er, rel_o), (i2, es, rhs_o)):
        pltpu.sync_copy(idx_h.at[sl], idxv)
        pltpu.async_copy(table.at[idxv], rows, sem).wait()
        pltpu.sync_copy(rows, out_h.at[sl])


@jax.jit
def _sc_gather3(i0, i1, i2, emb_s, emb_r):
    f32 = jnp.float32
    k = pl.kernel(
        _sc_gather_body,
        out_type=(
            jax.ShapeDtypeStruct((B, TWOR), f32),
            jax.ShapeDtypeStruct((B, TWOR), f32),
            jax.ShapeDtypeStruct((B, TWOR), f32),
        ),
        mesh=plsc.VectorSubcoreMesh(**_MESH),
        compiler_params=pltpu.CompilerParams(needs_layout_passes=False),
        scratch_types=[
            pltpu.VMEM((QPW,), jnp.int32),
            pltpu.VMEM((QPW, TWOR), f32),
            pltpu.SemaphoreType.DMA,
        ],
    )
    return k(i0, i1, i2, emb_s, emb_r)


BBLK = 512


def _tc_body(lhs_r, rel_r, rhs_r, W0, W1, bw0, bw1, Uo0, Uo1, bg,
             w0_o, w1_o, A0_o, A1_o, us_o):
    lhs, rel, rhs = lhs_r[:], rel_r[:], rhs_r[:]
    l0, l1 = lhs[:, :RANK], lhs[:, RANK:]
    r0, r1 = rel[:, :RANK], rel[:, RANK:]
    o0, o1 = rhs[:, :RANK], rhs[:, RANK:]
    W0a, W0b = W0[:RANK, :], W0[RANK:, :]
    W1a, W1b = W1[:RANK, :], W1[RANK:, :]
    f32 = jnp.float32
    dot = functools.partial(jnp.dot, preferred_element_type=f32)
    w0_o[:] = dot(l0, W0a) + dot(r0, W0b) - dot(l1, W1a) - dot(r1, W1b) + bw0[:]
    w1_o[:] = dot(l0, W1a) + dot(r0, W1b) + dot(l1, W0a) + dot(r1, W0b) + bw1[:]
    srrr = l0 * r0
    siri = l1 * r1
    sirr = l1 * r0
    srri = l0 * r1
    A0 = (srrr - siri) * o0 + (sirr + srri) * o1
    A1 = (sirr + srri) * o0 + (siri - srrr) * o1
    A0_o[:] = A0
    A1_o[:] = A1
    u = dot(srrr - siri, Uo0[:]) - dot(sirr + srri, Uo1[:]) + bg[:]
    S0 = jnp.sum(A0, axis=1, keepdims=True)
    us_o[:] = jnp.concatenate([u, S0, jnp.zeros((u.shape[0], 14), f32)], axis=1)


@jax.jit
def _tc_dense(lhs, rel, rhs, W0, W1, bw0, bw1, Uo0, Uo1, bg):
    f32 = jnp.float32
    n = B // BBLK
    row_spec = pl.BlockSpec((BBLK, TWOR), lambda i: (i, 0))
    full = lambda shape: pl.BlockSpec(shape, lambda i: (0, 0))
    return pl.pallas_call(
        _tc_body,
        grid=(n,),
        in_specs=[
            row_spec, row_spec, row_spec,
            full((TWOR, RANK)), full((TWOR, RANK)),
            full((1, RANK)), full((1, RANK)),
            full((RANK, 1)), full((RANK, 1)), full((1, 1)),
        ],
        out_specs=[
            pl.BlockSpec((BBLK, RANK), lambda i: (i, 0)),
            pl.BlockSpec((BBLK, RANK), lambda i: (i, 0)),
            pl.BlockSpec((BBLK, RANK), lambda i: (i, 0)),
            pl.BlockSpec((BBLK, RANK), lambda i: (i, 0)),
            pl.BlockSpec((BBLK, 16), lambda i: (i, 0)),
        ],
        out_shape=[
            jax.ShapeDtypeStruct((B, RANK), f32),
            jax.ShapeDtypeStruct((B, RANK), f32),
            jax.ShapeDtypeStruct((B, RANK), f32),
            jax.ShapeDtypeStruct((B, RANK), f32),
            jax.ShapeDtypeStruct((B, 16), f32),
        ],
    )(lhs, rel, rhs, W0, W1, bw0, bw1, Uo0, Uo1, bg)


def _sc_ctx_body(nb_h, emb_o_h, w0_h, w1_h, A0_h, A1_h, wo0_h, out_h,
                 nbs, w0s, w1s, A0s, A1s, wo0v,
                 rows0, rows1, rows2, rows3,
                 s2, sem):
    f32 = jnp.float32
    i32 = jnp.int32
    base = _wid() * QPW
    sl = pl.ds(base, QPW)
    pltpu.sync_copy(nb_h.at[sl], nbs)
    pltpu.sync_copy(wo0_h, wo0v)

    HQ = QPW // 4

    def load_half(h):
        hsl = pl.ds(base + h * HQ, HQ)
        pltpu.sync_copy(w0_h.at[hsl], w0s)
        pltpu.sync_copy(w1_h.at[hsl], w1s)
        pltpu.sync_copy(A0_h.at[hsl], A0s)
        pltpu.sync_copy(A1_h.at[hsl], A1s)

    zvec = jnp.zeros((16,), f32)
    iota = lax.iota(i32, 16)

    def gather(q, buf):
        return pltpu.make_async_copy(emb_o_h.at[nbs.at[q]], buf, sem)

    C = RANK // 16
    wo0c = [wo0v[pl.ds(c * 16, 16)] for c in range(C)]

    def compute_query(q, ql, rows):
        w0c = [w0s[ql, pl.ds(c * 16, 16)] for c in range(C)]
        w1c = [w1s[ql, pl.ds(c * 16, 16)] for c in range(C)]
        A0c = [A0s[ql, pl.ds(c * 16, 16)] for c in range(C)]
        A1c = [A1s[ql, pl.ds(c * 16, 16)] for c in range(C)]

        def dot8(ws, rs):
            e0 = ws[0] * rs[0]
            e1 = ws[1] * rs[1]
            for c in range(2, C, 2):
                e0 = e0 + ws[c] * rs[c]
                e1 = e1 + ws[c + 1] * rs[c + 1]
            return e0 + e1

        def one_m(m):
            rc0 = [rows[m, pl.ds(c * 16, 16)] for c in range(C)]
            rc1 = [rows[m, pl.ds(RANK + c * 16, 16)] for c in range(C)]
            dv = jnp.broadcast_to(
                jnp.sum(dot8(w0c, rc0) - dot8(w1c, rc1)), (16,))
            pa = dot8(A0c, rc0)
            pb = dot8(A1c, rc1)
            pw = dot8(wo0c, rc0)
            return dv, pa, pb, pw

        def accum(carry):
            dvp, pap, pbp, pwp, ssum, PA, PB, PW = carry
            p = jnp.where(dvp == 0.0, 0.0, jnp.exp(dvp))
            return (ssum + p, PA + p * pap, PB + p * pbp, PW + p * pwp)

        def p1(m, carry):
            ssum, PA, PB, PW = accum(carry)
            dv, pa, pb, pw = one_m(m)
            return (dv, pa, pb, pw, ssum, PA, PB, PW)

        carry = lax.fori_loop(
            0, MAX_NB, p1,
            (zvec, zvec, zvec, zvec, zvec, zvec, zvec, zvec))
        ssum, PA, PB, PW = accum(carry)

        SPv = jnp.broadcast_to(jnp.sum(PA) + jnp.sum(PB), (16,))
        PWv = jnp.broadcast_to(jnp.sum(PW), (16,))
        s2[q, :] = jnp.where(iota == 0, SPv, jnp.where(iota == 1, PWv, ssum))

    for h in range(4):
        load_half(h)
        q0 = h * HQ
        gather(q0, rows0).start()
        gather(q0 + 1, rows1).start()

        def body(i, _, h=h):
            q = h * HQ + 4 * i
            ql = 4 * i
            gather(q, rows0).wait()
            gather(q + 1, rows1).wait()
            gather(q + 2, rows2).start()
            gather(q + 3, rows3).start()
            compute_query(q, ql, rows0)
            compute_query(q + 1, ql + 1, rows1)
            gather(q + 2, rows2).wait()
            gather(q + 3, rows3).wait()

            @pl.when(ql + 4 < HQ)
            def _():
                gather(q + 4, rows0).start()
                gather(q + 5, rows1).start()

            compute_query(q + 2, ql + 2, rows2)
            compute_query(q + 3, ql + 3, rows3)
            return 0

        lax.fori_loop(0, HQ // 4, body, 0)
    pltpu.sync_copy(s2, out_h.at[sl])


@jax.jit
def _sc_context(nb, emb_o, w0, w1, A0, A1, wo0):
    f32 = jnp.float32
    k = pl.kernel(
        _sc_ctx_body,
        out_type=jax.ShapeDtypeStruct((B, 16), f32),
        mesh=plsc.VectorSubcoreMesh(**_MESH),
        compiler_params=pltpu.CompilerParams(needs_layout_passes=False),
        scratch_types=[
            pltpu.VMEM((QPW, MAX_NB), jnp.int32),
            pltpu.VMEM((QPW // 4, RANK), f32),
            pltpu.VMEM((QPW // 4, RANK), f32),
            pltpu.VMEM((QPW // 4, RANK), f32),
            pltpu.VMEM((QPW // 4, RANK), f32),
            pltpu.VMEM((RANK,), f32),
            pltpu.VMEM((MAX_NB, TWOR), f32),
            pltpu.VMEM((MAX_NB, TWOR), f32),
            pltpu.VMEM((MAX_NB, TWOR), f32),
            pltpu.VMEM((MAX_NB, TWOR), f32),
            pltpu.VMEM((QPW, 16), f32),
            pltpu.SemaphoreType.DMA,
        ],
    )
    return k(nb, emb_o, w0, w1, A0, A1, wo0)


def kernel(x, nb_idx, emb_s, emb_r, emb_o, W0, W1, bw0, bw1, Wo0, Wo1, Uo0, Uo1, b_g):
    i32 = jnp.int32
    i0 = x[:, 0].astype(i32)
    i1 = x[:, 1].astype(i32)
    i2 = x[:, 2].astype(i32)
    nb = nb_idx.astype(i32)
    lhs, rel, rhs = _sc_gather3(i0, i1, i2, emb_s, emb_r)
    w0, w1, A0, A1, us = _tc_dense(lhs, rel, rhs, W0, W1, bw0, bw1, Uo0, Uo1, b_g)
    acc = _sc_context(nb, emb_o, w0, w1, A0, A1, Wo0.reshape(-1))
    rs = 1.0 / acc[:, 2:3]
    P = acc[:, 0:1] * rs
    qw = acc[:, 1:2] * rs
    u = us[:, 0:1]
    S0 = us[:, 1:2]
    g = jax.nn.sigmoid(u + qw)
    return g * (P - S0) + S0

# --- scband reference (transcript-rebuilt; emitter-appended) ---
"""Pipeline reference for scband-context-compl-ex-v3-47399259078998 (READ-ONLY COPY).

The authoritative reference and input builder live on the scoring server;
editing this copy changes nothing except your own understanding.
"""

import jax, jax.numpy as jnp
import numpy as np

N_S = 100000
N_R = 1000
N_O = 100000
RANK = 128
MAX_NB = 50
B = 4096
PAD = N_O  # padding_idx for the neighbor/object embedding table


def setup_inputs(seed: int = 0) -> dict:
    key = jax.random.key(seed)
    ks = jax.random.split(key, 16)
    init_size = 0.001
    # forward args
    x = jax.random.randint(ks[0], (B, 3), 0, N_R)  # col0/col2 entity ids, col1 relation ids; all < min(N_S, N_R)
    # neighbor index array (replaces the data-dependent random get_neighbor sampler; values in [0, N_O] incl. PAD)
    nb_idx = jax.random.randint(ks[1], (B, MAX_NB), 0, N_O + 1)
    # learned parameters
    emb_s = jax.random.normal(ks[2], (N_S, 2 * RANK), dtype=jnp.float32) * init_size
    emb_r = jax.random.normal(ks[3], (N_R, 2 * RANK), dtype=jnp.float32) * init_size
    emb_o = jax.random.normal(ks[4], (N_O + 1, 2 * RANK), dtype=jnp.float32) * init_size
    emb_o = emb_o.at[PAD].set(0.0)  # padding row is zero, like nn.Embedding(padding_idx=...)
    W0 = jax.random.normal(ks[5], (2 * RANK, RANK), dtype=jnp.float32) * 0.05
    W1 = jax.random.normal(ks[6], (2 * RANK, RANK), dtype=jnp.float32) * 0.05
    bw0 = jax.random.normal(ks[7], (1, RANK), dtype=jnp.float32) * 0.05
    bw1 = jax.random.normal(ks[8], (1, RANK), dtype=jnp.float32) * 0.05
    Wo0 = jax.random.normal(ks[9], (RANK, 1), dtype=jnp.float32) * 0.05
    Wo1 = jax.random.normal(ks[10], (RANK, 1), dtype=jnp.float32) * 0.05
    Uo0 = jax.random.normal(ks[11], (RANK, 1), dtype=jnp.float32) * 0.05
    Uo1 = jax.random.normal(ks[12], (RANK, 1), dtype=jnp.float32) * 0.05
    b_g = jax.random.normal(ks[13], (1, 1), dtype=jnp.float32) * 0.05
    return {"x": x, "nb_idx": nb_idx, "emb_s": emb_s, "emb_r": emb_r, "emb_o": emb_o,
            "W0": W0, "W1": W1, "bw0": bw0, "bw1": bw1,
            "Wo0": Wo0, "Wo1": Wo1, "Uo0": Uo0, "Uo1": Uo1, "b_g": b_g}


def reference(x, nb_idx, emb_s, emb_r, emb_o, W0, W1, bw0, bw1, Wo0, Wo1, Uo0, Uo1, b_g):
    rank = RANK
    # embedding gathers (SparseCore-friendly)
    lhs = jnp.take(emb_s, x[:, 0], axis=0)
    rel = jnp.take(emb_r, x[:, 1], axis=0)
    rhs = jnp.take(emb_s, x[:, 2], axis=0)
    l0, l1 = lhs[:, :rank], lhs[:, rank:]
    r0, r1 = rel[:, :rank], rel[:, rank:]
    o0, o1 = rhs[:, :rank], rhs[:, rank:]
    # triple encoding (dropout p=0 in this config -> identity)
    t0 = jnp.concatenate([l0, r0], axis=1)
    t1 = jnp.concatenate([l1, r1], axis=1)
    w0 = t0 @ W0 - t1 @ W1 + bw0
    w1 = t0 @ W1 + t1 @ W0 + bw1
    # neighbor context: gather neighbor embeddings (get_neighbor output)
    nb = jnp.take(emb_o, nb_idx, axis=0)  # [B, MAX_NB, 2*rank]
    n0, n1 = nb[:, :, :rank], nb[:, :, rank:]
    w_nb = jnp.einsum('bk,bmk->bm', w0, n0) - jnp.einsum('bk,bmk->bm', w1, n1)
    w_nb = jnp.where(w_nb == 0.0, -jnp.inf, w_nb)
    alpha = jax.nn.softmax(w_nb, axis=1)
    ec0 = jnp.einsum('bm,bmk->bk', alpha, n0)
    ec1 = jnp.einsum('bm,bmk->bk', alpha, n1)
    g = jax.nn.sigmoid((l0 * r0 - l1 * r1) @ Uo0 - (l1 * r0 + l0 * r1) @ Uo1 + ec0 @ Wo0 + b_g)
    ge0 = g * ec0 + (1.0 - g) * jnp.ones_like(ec0)
    ge1 = g * ec1
    srrr = l0 * r0
    siri = l1 * l1 * 0 + l1 * r1
    sirr = l1 * r0
    srri = l0 * r1
    score = jnp.sum(((srrr - siri) * ge0 + (sirr + srri) * ge1) * o0 +
                    ((sirr + srri) * ge0 + (siri - srrr) * ge1) * o1,
                    axis=1, keepdims=True)
    return score

if __name__ == "__main__":
    import jax
    _d = setup_inputs()
    print(jax.jit(kernel)(*tuple(_d.values())))

</pallas_src>

<mosaic_0001>
#map = affine_map<(d0, d1) -> (0)>
#map1 = affine_map<(d0, d1) -> (0, 0)>
module attributes {stable_mosaic.version = 14 : i64} {
  func.func @_sc_gather_body(%arg0: i32, %arg1: i32, %arg2: memref<4096xi32, #tpu.memory_space<hbm>>, %arg3: memref<4096xi32, #tpu.memory_space<hbm>>, %arg4: memref<4096xi32, #tpu.memory_space<hbm>>, %arg5: memref<100000x256xf32, #tpu.memory_space<hbm>>, %arg6: memref<1000x256xf32, #tpu.memory_space<hbm>>, %arg7: memref<4096x256xf32, #tpu.memory_space<hbm>>, %arg8: memref<4096x256xf32, #tpu.memory_space<hbm>>, %arg9: memref<4096x256xf32, #tpu.memory_space<hbm>>, %arg10: memref<128xi32, #tpu.memory_space<vmem>>, %arg11: memref<128x256xf32, #tpu.memory_space<vmem>>, %arg12: memref<!tpu.dma_semaphore, #tpu.memory_space<semaphore_mem>>) attributes {dimension_semantics = [#tpu.dimension_semantics<core_parallel>, #tpu.dimension_semantics<subcore_parallel>], iteration_bounds = array<i64: 2, 16>, scalar_prefetch = 0 : i64, scratch_operands = 3 : i64, tpu.core_type = #tpu.core_type<sc_vector_subcore>, window_params = [{transform_indices = #map}, {transform_indices = #map}, {transform_indices = #map}, {transform_indices = #map1}, {transform_indices = #map1}, {transform_indices = #map1}, {transform_indices = #map1}, {transform_indices = #map1}]} {
    %mul3A = arith.constant 2 : i32
    %mul3A_0 = arith.muli %arg1, %mul3A : i32
    %add3A = arith.addi %mul3A_0, %arg0 : i32
    %mul3A_1 = arith.constant 128 : i32
    %mul3A_2 = arith.muli %add3A, %mul3A_1 : i32
    "tpu.region"() ({
      %run_scoped3A = tpu.sem_alloc : memref<!tpu.dma_semaphore, #tpu.memory_space<semaphore_mem>>
      %dma_start3A_19 = tpu.memref_slice %arg2[%mul3A_2] : memref<4096xi32, #tpu.memory_space<hbm>> -> memref<128xi32, #tpu.memory_space<hbm>>
      %dma_start3A_20 = tpu.memref_slice %arg2[%mul3A_2] : memref<4096xi32, #tpu.memory_space<hbm>> -> memref<128xi32, #tpu.memory_space<hbm>>
      tpu.enqueue_dma source(%dma_start3A_20 : memref<128xi32, #tpu.memory_space<hbm>>) target(%arg10 : memref<128xi32, #tpu.memory_space<vmem>>) target_semaphore(%run_scoped3A : memref<!tpu.dma_semaphore, #tpu.memory_space<semaphore_mem>>)
      %dma_wait3A_21 = tpu.memref_slice %arg2[%mul3A_2] : memref<4096xi32, #tpu.memory_space<hbm>> -> memref<128xi32, #tpu.memory_space<hbm>>
      %dma_wait3A_22 = tpu.memref_slice %arg2[%mul3A_2] : memref<4096xi32, #tpu.memory_space<hbm>> -> memref<128xi32, #tpu.memory_space<hbm>>
      tpu.wait_dma2 semaphore(%run_scoped3A : memref<!tpu.dma_semaphore, #tpu.memory_space<semaphore_mem>>) src(%dma_wait3A_22 : memref<128xi32, #tpu.memory_space<hbm>>) dst(%arg10 : memref<128xi32, #tpu.memory_space<vmem>>)
      tpu.yield
    }) : () -> ()
    %dma_start3A = arith.constant 0 : i32
    %dma_start3A_3 = arith.constant 0 : i32
    %dma_start3A_4 = tpu.memref_slice %arg5[%dma_start3A, %dma_start3A_3] : memref<100000x256xf32, #tpu.memory_space<hbm>> -> memref<100000x256xf32, #tpu.memory_space<hbm>>
    tpu.enqueue_indirect_dma source(%dma_start3A_4 : memref<100000x256xf32, #tpu.memory_space<hbm>>) target(%arg11 : memref<128x256xf32, #tpu.memory_space<vmem>>) offsets(%arg10 : memref<128xi32, #tpu.memory_space<vmem>>) semaphore(%arg12 : memref<!tpu.dma_semaphore, #tpu.memory_space<semaphore_mem>>)
    %dma_wait3A = arith.constant 0 : i32
    %dma_wait3A_5 = arith.constant 0 : i32
    %dma_wait3A_6 = tpu.memref_slice %arg5[%dma_wait3A, %dma_wait3A_5] : memref<100000x256xf32, #tpu.memory_space<hbm>> -> memref<100000x256xf32, #tpu.memory_space<hbm>>
    tpu.wait_indirect_dma semaphore(%arg12 : memref<!tpu.dma_semaphore, #tpu.memory_space<semaphore_mem>>) src(%dma_wait3A_6 : memref<100000x256xf32, #tpu.memory_space<hbm>>) dst(%arg11 : memref<128x256xf32, #tpu.memory_space<vmem>>)
    "tpu.region"() ({
      %run_scoped3A = tpu.sem_alloc : memref<!tpu.dma_semaphore, #tpu.memory_space<semaphore_mem>>
      %dma_start3A_19 = arith.constant 0 : i32
      %dma_start3A_20 = tpu.memref_slice %arg7[%mul3A_2, %dma_start3A_19] : memref<4096x256xf32, #tpu.memory_space<hbm>> -> memref<128x256xf32, #tpu.memory_space<hbm>>
      %dma_start3A_21 = arith.constant 0 : i32
      %dma_start3A_22 = tpu.memref_slice %arg7[%mul3A_2, %dma_start3A_21] : memref<4096x256xf32, #tpu.memory_space<hbm>> -> memref<128x256xf32, #tpu.memory_space<hbm>>
      tpu.enqueue_dma source(%arg11 : memref<128x256xf32, #tpu.memory_space<vmem>>) target(%dma_start3A_22 : memref<128x256xf32, #tpu.memory_space<hbm>>) target_semaphore(%run_scoped3A : memref<!tpu.dma_semaphore, #tpu.memory_space<semaphore_mem>>)
      %dma_wait3A_23 = arith.constant 0 : i32
      %dma_wait3A_24 = tpu.memref_slice %arg7[%mul3A_2, %dma_wait3A_23] : memref<4096x256xf32, #tpu.memory_space<hbm>> -> memref<128x256xf32, #tpu.memory_space<hbm>>
      %dma_wait3A_25 = arith.constant 0 : i32
      %dma_wait3A_26 = tpu.memref_slice %arg7[%mul3A_2, %dma_wait3A_25] : memref<4096x256xf32, #tpu.memory_space<hbm>> -> memref<128x256xf32, #tpu.memory_space<hbm>>
      tpu.wait_dma2 semaphore(%run_scoped3A : memref<!tpu.dma_semaphore, #tpu.memory_space<semaphore_mem>>) src(%arg11 : memref<128x256xf32, #tpu.memory_space<vmem>>) dst(%dma_wait3A_26 : memref<128x256xf32, #tpu.memory_space<hbm>>)
      tpu.yield
    }) : () -> ()
    "tpu.region"() ({
      %run_scoped3A = tpu.sem_alloc : memref<!tpu.dma_semaphore, #tpu.memory_space<semaphore_mem>>
      %dma_start3A_19 = tpu.memref_slice %arg3[%mul3A_2] : memref<4096xi32, #tpu.memory_space<hbm>> -> memref<128xi32, #tpu.memory_space<hbm>>
      %dma_start3A_20 = tpu.memref_slice %arg3[%mul3A_2] : memref<4096xi32, #tpu.memory_space<hbm>> -> memref<128xi32, #tpu.memory_space<hbm>>
      tpu.enqueue_dma source(%dma_start3A_20 : memref<128xi32, #tpu.memory_space<hbm>>) target(%arg10 : memref<128xi32, #tpu.memory_space<vmem>>) target_semaphore(%run_scoped3A : memref<!tpu.dma_semaphore, #tpu.memory_space<semaphore_mem>>)
      %dma_wait3A_21 = tpu.memref_slice %arg3[%mul3A_2] : memref<4096xi32, #tpu.memory_space<hbm>> -> memref<128xi32, #tpu.memory_space<hbm>>
      %dma_wait3A_22 = tpu.memref_slice %arg3[%mul3A_2] : memref<4096xi32, #tpu.memory_space<hbm>> -> memref<128xi32, #tpu.memory_space<hbm>>
      tpu.wait_dma2 semaphore(%run_scoped3A : memref<!tpu.dma_semaphore, #tpu.memory_space<semaphore_mem>>) src(%dma_wait3A_22 : memref<128xi32, #tpu.memory_space<hbm>>) dst(%arg10 : memref<128xi32, #tpu.memory_space<vmem>>)
      tpu.yield
    }) : () -> ()
    %dma_start3A_7 = arith.constant 0 : i32
    %dma_start3A_8 = arith.constant 0 : i32
    %dma_start3A_9 = tpu.memref_slice %arg6[%dma_start3A_7, %dma_start3A_8] : memref<1000x256xf32, #tpu.memory_space<hbm>> -> memref<1000x256xf32, #tpu.memory_space<hbm>>
    tpu.enqueue_indirect_dma source(%dma_start3A_9 : memref<1000x256xf32, #tpu.memory_space<hbm>>) target(%arg11 : memref<128x256xf32, #tpu.memory_space<vmem>>) offsets(%arg10 : memref<128xi32, #tpu.memory_space<vmem>>) semaphore(%arg12 : memref<!tpu.dma_semaphore, #tpu.memory_space<semaphore_mem>>)
    %dma_wait3A_10 = arith.constant 0 : i32
    %dma_wait3A_11 = arith.constant 0 : i32
    %dma_wait3A_12 = tpu.memref_slice %arg6[%dma_wait3A_10, %dma_wait3A_11] : memref<1000x256xf32, #tpu.memory_space<hbm>> -> memref<1000x256xf32, #tpu.memory_space<hbm>>
    tpu.wait_indirect_dma semaphore(%arg12 : memref<!tpu.dma_semaphore, #tpu.memory_space<semaphore_mem>>) src(%dma_wait3A_12 : memref<1000x256xf32, #tpu.memory_space<hbm>>) dst(%arg11 : memref<128x256xf32, #tpu.memory_space<vmem>>)
    "tpu.region"() ({
      %run_scoped3A = tpu.sem_alloc : memref<!tpu.dma_semaphore, #tpu.memory_space<semaphore_mem>>
      %dma_start3A_19 = arith.constant 0 : i32
      %dma_start3A_20 = tpu.memref_slice %arg8[%mul3A_2, %dma_start3A_19] : memref<4096x256xf32, #tpu.memory_space<hbm>> -> memref<128x256xf32, #tpu.memory_space<hbm>>
      %dma_start3A_21 = arith.constant 0 : i32
      %dma_start3A_22 = tpu.memref_slice %arg8[%mul3A_2, %dma_start3A_21] : memref<4096x256xf32, #tpu.memory_space<hbm>> -> memref<128x256xf32, #tpu.memory_space<hbm>>
      tpu.enqueue_dma source(%arg11 : memref<128x256xf32, #tpu.memory_space<vmem>>) target(%dma_start3A_22 : memref<128x256xf32, #tpu.memory_space<hbm>>) target_semaphore(%run_scoped3A : memref<!tpu.dma_semaphore, #tpu.memory_space<semaphore_mem>>)
      %dma_wait3A_23 = arith.constant 0 : i32
      %dma_wait3A_24 = tpu.memref_slice %arg8[%mul3A_2, %dma_wait3A_23] : memref<4096x256xf32, #tpu.memory_space<hbm>> -> memref<128x256xf32, #tpu.memory_space<hbm>>
      %dma_wait3A_25 = arith.constant 0 : i32
      %dma_wait3A_26 = tpu.memref_slice %arg8[%mul3A_2, %dma_wait3A_25] : memref<4096x256xf32, #tpu.memory_space<hbm>> -> memref<128x256xf32, #tpu.memory_space<hbm>>
      tpu.wait_dma2 semaphore(%run_scoped3A : memref<!tpu.dma_semaphore, #tpu.memory_space<semaphore_mem>>) src(%arg11 : memref<128x256xf32, #tpu.memory_space<vmem>>) dst(%dma_wait3A_26 : memref<128x256xf32, #tpu.memory_space<hbm>>)
      tpu.yield
    }) : () -> ()
    "tpu.region"() ({
      %run_scoped3A = tpu.sem_alloc : memref<!tpu.dma_semaphore, #tpu.memory_space<semaphore_mem>>
      %dma_start3A_19 = tpu.memref_slice %arg4[%mul3A_2] : memref<4096xi32, #tpu.memory_space<hbm>> -> memref<128xi32, #tpu.memory_space<hbm>>
      %dma_start3A_20 = tpu.memref_slice %arg4[%mul3A_2] : memref<4096xi32, #tpu.memory_space<hbm>> -> memref<128xi32, #tpu.memory_space<hbm>>
      tpu.enqueue_dma source(%dma_start3A_20 : memref<128xi32, #tpu.memory_space<hbm>>) target(%arg10 : memref<128xi32, #tpu.memory_space<vmem>>) target_semaphore(%run_scoped3A : memref<!tpu.dma_semaphore, #tpu.memory_space<semaphore_mem>>)
      %dma_wait3A_21 = tpu.memref_slice %arg4[%mul3A_2] : memref<4096xi32, #tpu.memory_space<hbm>> -> memref<128xi32, #tpu.memory_space<hbm>>
      %dma_wait3A_22 = tpu.memref_slice %arg4[%mul3A_2] : memref<4096xi32, #tpu.memory_space<hbm>> -> memref<128xi32, #tpu.memory_space<hbm>>
      tpu.wait_dma2 semaphore(%run_scoped3A : memref<!tpu.dma_semaphore, #tpu.memory_space<semaphore_mem>>) src(%dma_wait3A_22 : memref<128xi32, #tpu.memory_space<hbm>>) dst(%arg10 : memref<128xi32, #tpu.memory_space<vmem>>)
      tpu.yield
    }) : () -> ()
    %dma_start3A_13 = arith.constant 0 : i32
    %dma_start3A_14 = arith.constant 0 : i32
    %dma_start3A_15 = tpu.memref_slice %arg5[%dma_start3A_13, %dma_start3A_14] : memref<100000x256xf32, #tpu.memory_space<hbm>> -> memref<100000x256xf32, #tpu.memory_space<hbm>>
    tpu.enqueue_indirect_dma source(%dma_start3A_15 : memref<100000x256xf32, #tpu.memory_space<hbm>>) target(%arg11 : memref<128x256xf32, #tpu.memory_space<vmem>>) offsets(%arg10 : memref<128xi32, #tpu.memory_space<vmem>>) semaphore(%arg12 : memref<!tpu.dma_semaphore, #tpu.memory_space<semaphore_mem>>)
    %dma_wait3A_16 = arith.constant 0 : i32
    %dma_wait3A_17 = arith.constant 0 : i32
    %dma_wait3A_18 = tpu.memref_slice %arg5[%dma_wait3A_16, %dma_wait3A_17] : memref<100000x256xf32, #tpu.memory_space<hbm>> -> memref<100000x256xf32, #tpu.memory_space<hbm>>
    tpu.wait_indirect_dma semaphore(%arg12 : memref<!tpu.dma_semaphore, #tpu.memory_space<semaphore_mem>>) src(%dma_wait3A_18 : memref<100000x256xf32, #tpu.memory_space<hbm>>) dst(%arg11 : memref<128x256xf32, #tpu.memory_space<vmem>>)
    "tpu.region"() ({
      %run_scoped3A = tpu.sem_alloc : memref<!tpu.dma_semaphore, #tpu.memory_space<semaphore_mem>>
      %dma_start3A_19 = arith.constant 0 : i32
      %dma_start3A_20 = tpu.memref_slice %arg9[%mul3A_2, %dma_start3A_19] : memref<4096x256xf32, #tpu.memory_space<hbm>> -> memref<128x256xf32, #tpu.memory_space<hbm>>
      %dma_start3A_21 = arith.constant 0 : i32
      %dma_start3A_22 = tpu.memref_slice %arg9[%mul3A_2, %dma_start3A_21] : memref<4096x256xf32, #tpu.memory_space<hbm>> -> memref<128x256xf32, #tpu.memory_space<hbm>>
      tpu.enqueue_dma source(%arg11 : memref<128x256xf32, #tpu.memory_space<vmem>>) target(%dma_start3A_22 : memref<128x256xf32, #tpu.memory_space<hbm>>) target_semaphore(%run_scoped3A : memref<!tpu.dma_semaphore, #tpu.memory_space<semaphore_mem>>)
      %dma_wait3A_23 = arith.constant 0 : i32
      %dma_wait3A_24 = tpu.memref_slice %arg9[%mul3A_2, %dma_wait3A_23] : memref<4096x256xf32, #tpu.memory_space<hbm>> -> memref<128x256xf32, #tpu.memory_space<hbm>>
      %dma_wait3A_25 = arith.constant 0 : i32
      %dma_wait3A_26 = tpu.memref_slice %arg9[%mul3A_2, %dma_wait3A_25] : memref<4096x256xf32, #tpu.memory_space<hbm>> -> memref<128x256xf32, #tpu.memory_space<hbm>>
      tpu.wait_dma2 semaphore(%run_scoped3A : memref<!tpu.dma_semaphore, #tpu.memory_space<semaphore_mem>>) src(%arg11 : memref<128x256xf32, #tpu.memory_space<vmem>>) dst(%dma_wait3A_26 : memref<128x256xf32, #tpu.memory_space<hbm>>)
      tpu.yield
    }) : () -> ()
    return
  }
}

</mosaic_0001>

<sc_bundles>
// kernel: _sc_gather3.3.cloned.1.call-start
scs
__scs_entry_jumppad:
0x0: {  	(pc) =	sbr.rel $0x88, $3  }
0x1: {  	(tag) =	ssettag $0x0;
	lr =	simm.s32 $0x1  }
0x2: {  	[smem:$0x3F9C] =	sst lr;
	_ =	strace $0xD0000000  }
0x3: {  	_ = 	snop  }
0x4: {  	_ = 	snop  }
0x5: {  	_ = 	snop  }
0x6: {  	_ = 	snop  }
0x7: {  	_ = 	snop  }
__scs_overlays_trampoline_lowered:
0x8: {  	[smem:$0x3FAB] =	sst s0  }
0x9: {  	[smem:$0x3FAC] =	sst s1  }
0xa: {  	[smem:$0x3FAD] =	sst s2  }
0xb: {  	[smem:$0x3FAE] =	sst s3  }
0xc: {  	[smem:$0x3FAF] =	sst s4  }
0xd: {  	[smem:$0x3FB0] =	sst s5  }
0xe: {  	[smem:$0x3FB1] =	sst s6  }
0xf: {  	[smem:$0x3FB2] =	sst s7  }
0x10: {  	[smem:$0x3FB3] =	sst s8  }
0x11: {  	[smem:$0x3FB4] =	sst s9;
	s0 =	simm.s32 @!p0 $0x0  }
0x12: {  	s1 =	sld [smem:$0x3F9A];
	s0 =	simm.s32 @p0 $0x1  }
0x13: {  	[smem:$0x3FB5] =	sst s0;
	s0 =	simm.s32 @!p1 $0x0  }
0x14: {  	s2 =	sld [smem:$0x3F99];
	s0 =	simm.s32 @p1 $0x1  }
0x15: {  	[smem:$0x3FB6] =	sst s0;
	s0 =	simm.s32 @!p2 $0x0  }
0x16: {  	s3 =	sld [smem:$0x3FDB];
	s0 =	simm.s32 @p2 $0x1  }
0x17: {  	s4 =	simm.s32 $0x1BF5;
	[smem:$0x3FB8] =	sst s0  }
0x18: {  	s0 =	sld [smem:$0x3F9B];
	_ =	swait.ge [sflag:s4], $0x0  }
0x19: {  	s7 =	sld [smem:$0x3F9C]  }
0x1a: {  	s8 =	sadd.s32 $0xFFFFE003, lr  }
0x1b: {  	s9 =	sadd.s32 $0xFFFFFEF7, lr;
	s5 =	simm.s32 $0xFFFFFFFF;
	p2 =	slt.u32 s8, $0xFFFFF086  }
0x1c: {  	p1 =	slt.u32 s9, $0xF7A;
	s5 =	simm.s32 @!p2 $0x0  }
0x1d: {  	s5 =	simm.s32 @p1 $0x1;
	p0 =	seq.s32 s7, s2  }
0x1e: {  	s7 =	smul.u32 @!p0 $0xF7A, s2;
	p2 =	seq.s32 @!p0 s5, $0x0  }
0x1f: {  	s9 =	smul.u32 $0xF7A, s1;
	s8 =	simm.s32 @!p0 $0x1BF5;
	p2 =	por !p2, p0  }
0x20: {  	[sflag:s8] =	ssyncset.s32 @!p0 $0xFFFFF086;
	s6 =	sadd.s32 @!p0 s3, s7;
	s7 =	simm.s32 @!p0 $0x108  }
0x21: {  	s3 =	sadd.s32 s3, s9;
	s6 =	sadd.s32 @!p0 $0x88, s6;
	s7 =	simm.s32 @p2 $0x1082  }
0x22: {  	[simem:s7], [sflag:s8] =	dma.local @!p0 [hbm:s6], $0xF7A  }
0x23: {  	s9 =	sor.u32 $0xD0000000, s2;
	s6 =	simm.s32 $0x108;
	_ =	swait.ge @!p0 [sflag:s8], $0x0  }
0x24: {  	s3 =	sadd.s32 $0x88, s3;
	s6 =	simm.s32 @!p1 $0x1082;
	[sflag:s4] =	ssyncset.s32 $0xFFFFF086  }
0x25: {  	[simem:s6], [sflag:s4] =	dma.local [hbm:s3], $0xF7A  }
0x26: {  	[smem:$0x3F9C] =	sst s1;
	(tag) =	ssettag s2;
	_ =	strace s9  }
0x27: {  	s1 =	sld [smem:$0x3FAC]  }
0x28: {  	s2 =	sld [smem:$0x3FAD]  }
0x29: {  	s4 =	sld [smem:$0x3FAF]  }
0x2a: {  	p0 =	seq.s32 s5, $0x0;
	s5 =	sld [smem:$0x3FB0]  }
0x2b: {  	s6 =	sld [smem:$0x3FB1]  }
0x2c: {  	s7 =	sld [smem:$0x3FB2]  }
0x2d: {  	s3 =	simm.s32 $0x108;
	s8 =	sld [smem:$0x3FB3]  }
0x2e: {  	s3 =	simm.s32 @!p0 $0x1082;
	s9 =	sld [smem:$0x3FB4]  }
0x2f: {  	lr =	sadd.s32 s0, s3;
	s0 =	sld [smem:$0x3FAB]  }
0x30: {  	s3 =	sld [smem:$0x3FAE]  }
0x31: {  	[smem:$0x3FB7] =	sst s10  }
0x32: {  	s10 =	sld [smem:$0x3FB5];
	_ =	sdelay $0x3  }
0x33: {  	p0 =	seq.s32 s10, $0x1;
	s10 =	sld [smem:$0x3FB7];
	_ =	sdelay $0x3  }
0x34: {  	[smem:$0x3FB7] =	sst s10  }
0x35: {  	s10 =	sld [smem:$0x3FB6];
	_ =	sdelay $0x3  }
0x36: {  	p1 =	seq.s32 s10, $0x1;
	s10 =	sld [smem:$0x3FB7];
	_ =	sdelay $0x3  }
0x37: {  	[smem:$0x3FB7] =	sst s10  }
0x38: {  	s10 =	sld [smem:$0x3FB8]  }
0x39: {  	_ = 	snop;
	(pc) =	sbr.ind lr, $3  }
0x3a: {  	_ = 	snop  }
0x3b: {  	_ = 	snop  }
0x3c: {  	p2 =	seq.s32 s10, $0x1;
	s10 =	sld [smem:$0x3FB7]  }
0x3d: {  	_ =	shalt  }
0x3e: {  	_ =	shalt  }
0x3f: {  	_ =	shalt  }
0x40: {  	_ =	shalt  }
0x41: {  	_ =	shalt  }
0x42: {  	_ =	shalt  }
0x43: {  	_ =	shalt  }
0x44: {  	_ =	shalt  }
0x45: {  	_ =	shalt  }
0x46: {  	_ =	shalt  }
0x47: {  	_ =	shalt  }
0x48: {  	_ =	shalt  }
0x49: {  	_ =	shalt  }
0x4a: {  	_ =	shalt  }
0x4b: {  	_ =	shalt  }
0x4c: {  	_ =	shalt  }
0x4d: {  	_ =	shalt  }
0x4e: {  	_ =	shalt  }
0x4f: {  	_ =	shalt  }
0x50: {  	_ =	shalt  }
0x51: {  	_ =	shalt  }
0x52: {  	_ =	shalt  }
0x53: {  	_ =	shalt  }
0x54: {  	_ =	shalt  }
0x55: {  	_ =	shalt  }
0x56: {  	_ =	shalt  }
0x57: {  	_ =	shalt  }
0x58: {  	_ =	shalt  }
0x59: {  	_ =	shalt  }
0x5a: {  	_ =	shalt  }
0x5b: {  	_ =	shalt  }
0x5c: {  	_ =	shalt  }
0x5d: {  	_ =	shalt  }
0x5e: {  	_ =	shalt  }
0x5f: {  	_ =	shalt  }
0x60: {  	_ =	shalt  }
0x61: {  	_ =	shalt  }
0x62: {  	_ =	shalt  }
0x63: {  	_ =	shalt  }
0x64: {  	_ =	shalt  }
0x65: {  	_ =	shalt  }
0x66: {  	_ =	shalt  }
0x67: {  	_ =	shalt  }
0x68: {  	_ =	shalt  }
0x69: {  	_ =	shalt  }
0x6a: {  	_ =	shalt  }
0x6b: {  	_ =	shalt  }
0x6c: {  	_ =	shalt  }
0x6d: {  	_ =	shalt  }
0x6e: {  	_ =	shalt  }
0x6f: {  	_ =	shalt  }
0x70: {  	_ =	shalt  }
0x71: {  	_ =	shalt  }
0x72: {  	_ =	shalt  }
0x73: {  	_ =	shalt  }
0x74: {  	_ =	shalt  }
0x75: {  	_ =	shalt  }
0x76: {  	_ =	shalt  }
0x77: {  	_ =	shalt  }
0x78: {  	_ =	shalt  }
0x79: {  	_ =	shalt  }
0x7a: {  	_ =	shalt  }
0x7b: {  	_ =	shalt  }
0x7c: {  	_ =	shalt  }
0x7d: {  	_ =	shalt  }
0x7e: {  	_ =	shalt  }
0x7f: {  	_ =	shalt  }
0x80: {  	_ =	shalt  }
0x81: {  	_ =	shalt  }
0x82: {  	_ =	shalt  }
0x83: {  	_ =	shalt  }
0x84: {  	_ =	shalt  }
0x85: {  	_ =	shalt  }
0x86: {  	_ =	shalt  }
0x87: {  	_ =	shalt  }
.Lfunc_end0:
.L_simem_size_0:
called_computation_lowered:
.L_overlay_start_0:
0x88: {  	s2 =	sld [smem:$0x3FD9]  }
0x89: {  	s3 =	sld [smem:$0x3FFE];
	_ =	sdelay $0x1  }
0x8a: {  	s1 =	srdreg.scid  }
0x8b: {  	s0 =	sand.u32 $0x1, s1  }
0x8c: {  	s15 =	sshll.u32 s0, $0xA;
	s2 =	sadd.s32 s3, s2  }
0x8d: {  	s2 =	sadd.s32 s2, s15  }
0x8e: {  	[smem:$0x3FC3] =	sst s2  }
0x8f: {  	_ = 	snop  }
0x90: {  	s2 =	sld [smem:$0x3FC9]  }
0x91: {  	s16 =	sld [smem:$0x3FC8]  }
0x92: {  	s4 =	sld [smem:$0x3FD0]  }
0x93: {  	s5 =	sld [smem:$0x3FC7]  }
0x94: {  	s6 =	sld [smem:$0x3FC6]  }
0x95: {  	s8 =	simm.s32 $0xA;
	s9 =	simm.s32 $0x10;
	s7 =	sld [smem:$0x3FC5]  }
0x96: {  	[smem:s9], [sflag:s8] =	dma.local [hbm:s4], $0x1  }
0x97: {  	_ =	swait.eq [sflag:s8], $0x1  }
0x98: {  	s17 =	sld [smem:$0x10];
	[sflag:s8] =	ssyncset.done $0x0  }
0x99: {  	s18 =	sld [smem:$0x11];
	[sflag:s8] =	ssyncadd.s32 $0xFFFFFFFF  }
0x9a: {  	s19 =	sld [smem:$0x12];
	(tm) =	ssettm $0x1  }
0x9b: {  	s10 =	sld [smem:$0x3FFB];
	_ =	sdelay $0x3  }
0x9c: {  	_ =	strace s10  }
0x9d: {  	s10 =	sld [smem:$0x3FFC];
	_ =	sdelay $0x3  }
0x9e: {  	_ =	strace s10  }
0x9f: {  	s10 =	sld [smem:$0x3FFD];
	_ =	sdelay $0x3  }
0xa0: {  	_ =	strace s10  }
0xa1: {  	_ =	strace $0x8FFFFFFF  }
0xa2: {  	s20 =	sld [smem:$0x3FDB];
	_ =	sdelay $0x1  }
0xa3: {  	s11 =	simm.s32 $_scs_section_size  }
0xa4: {  	s12 =	simm.s32 $_size__tile_overlayer_lowered;
	s13 =	simm.s32 $_tile_overlayer_lowered  }
0xa5: {  	s23 =	simm.s32 $0x1BFF;
	s22 =	sshll.u32 s13, $0x1;
	s10 =	sadd.s32 s11, s20  }
0xa6: {  	s14 =	simm.s32 $0x0;
	s21 =	sshll.u32 s12, $0x1;
	s12 =	sadd.s32 s22, s10  }
0xa7: {  	[timem:s14], [sflag:s23] =	dma.local [hbm:s12], s21  }
0xa8: {  	_ =	swait.ge [sflag:s23], s21  }
0xa9: {  	s11 =	ssub.s32 $0x0, s21;
	[sflag:s23] =	ssyncset.done $0x0  }
0xaa: {  	[sflag:s23] =	ssyncadd.s32 s11;
	_ =	sdelay $0x1  }
0xab: {  	s24 =	simm.s32 $0x1B8B  }
0xac: {  	_ =	swait.ge [sflag:s24], $0x1  }
0xad: {  	[sflag:s24] =	ssyncset.done $0x0  }
0xae: {  	s25 =	simm.s32 $0x1B8E;
	[sflag:s24] =	ssyncadd.s32 $0xFFFFFFFF  }
0xaf: {  	s26 =	simm.s32 $execute0_lowered;
	[smem:$0x3FD2] =	sst s25  }
0xb0: {  	s11 =	sshll.u32 s26, $0x1;
	_ =	strace $0x80000046;
	[dreg:$0x1] =	wrdreg $0xFFFFFFFF  }
0xb1: {  	s28 =	simm.s32 $_size_execute0_lowered;
	s10 =	sadd.s32 s10, s11;
	[dreg:$0x0] =	wrdreg $0x0  }
0xb2: {  	s11 =	sshll.u32 s28, $0x1;
	[dreg:$0x2] =	wrdreg s10  }
0xb3: {  	[dreg:$0x3] =	wrdreg s11  }
0xb4: {  	[dreg:$0x4] =	wrdreg $0xC0  }
0xb5: {  	_ =	task [dreg:s14], $0x5FFFF  }
0xb6: {  	[dreg:$0x1] =	wrdreg $0xFFFFFFFF  }
0xb7: {  	[dreg:$0x0] =	wrdreg $0x60  }
0xb8: {  	[dreg:$0x2] =	wrdreg s2  }
0xb9: {  	[dreg:$0x3] =	wrdreg s16  }
0xba: {  	[dreg:$0x4] =	wrdreg s5  }
0xbb: {  	[dreg:$0x5] =	wrdreg s6  }
0xbc: {  	[dreg:$0x6] =	wrdreg s7  }
0xbd: {  	[dreg:$0x7] =	wrdreg s17  }
0xbe: {  	[dreg:$0x8] =	wrdreg s18  }
0xbf: {  	[dreg:$0x9] =	wrdreg s19  }
0xc0: {  	[dreg:$0xa] =	wrdreg $0x9  }
0xc1: {  	_ =	task.clear_ibuf [dreg:s14], $0xBFFFF;
	_ =	strace $0x90000046  }
0xc2: {  	s29 =	simm.s32 $0x9;
	_ =	strace $0x80000048  }
0xc3: {  	_ =	swait.ge [sflag:s29], $0x1  }
0xc4: {  	[sflag:s29] =	ssyncadd.s32 $0xFFFFFFFF  }
0xc5: {  	_ =	strace $0x90000048  }
0xc6: {  	_ =	sfence  }
0xc7: {  	s30 =	sld [smem:$0x0];
	_ =	sdelay $0x2  }
0xc8: {  	s31 =	sshll.u32 s1, $0xD;
	s1 =	sshrl.u32 s1, $0x2  }
0xc9: {  	s3 =	sand.u32 $0x4000, s31;
	s1 =	sadd.s32 s1, s30  }
0xca: {  	s0 =	sor.u32 s3, s0;
	s1 =	sshll.u32 s1, $0x11  }
0xcb: {  	s0 =	sor.u32 s1, s0  }
0xcc: {  	s0 =	sadd.s32 $0x8F2B, s0  }
0xcd: {  	[sflag:s0] =	ssyncadd.remote.s32 $0x1  }
0xce: {  	_ =	sfence.sel $0xFFFF  }
0xcf: {  	[dreg:$0x0] =	wrdreg $0xFFFFFFFF;
	(pc) =	sbr.abs _section_cstart, $3  }
0xd0: {  	[dreg:$0x1] =	wrdreg $0xFFFFFFFF  }
0xd1: {  	_ =	task.clear_ibuf [dreg:s14], $0x2FFFF;
	_ =	strace $0x9FFFFFFF  }
0xd2: {  	(tm) =	ssettm $0x7FFFFFFF  }
0xd3: {  	_ =	shalt  }
tec
execute0_lowered:
.L_overlay_start_1:
0x0: {  	(tag) =	ssettag $0x1  }
0x1: {  	s5 =	rddreg [dreg:$0x0]  }
0x2: {  	s7 =	rddreg [dreg:$0x1]  }
0x3: {  	s9 =	rddreg [dreg:$0x2]  }
0x4: {  	s1 =	rddreg [dreg:$0x3]  }
0x5: {  	s2 =	rddreg [dreg:$0x4]  }
0x6: {  	s6 =	rddreg [dreg:$0x5]  }
0x7: {  	s8 =	rddreg [dreg:$0x6]  }
0x8: {  	s10 =	rddreg [dreg:$0x7];
	s4 =	srdreg.scid  }
0x9: {  	s0 =	rddreg [dreg:$0x8];
	s3 =	stileid.u32;
	s15 =	simm.s32 $0x1080  }
0xa: {  	s16 =	simm.s32 $0x1880;
	s17 =	simm.s32 $0x2080;
	s18 =	simm.s32 $0x2880  }
0xb: {  	s19 =	simm.s32 $0x3080;
	s20 =	simm.s32 $0x3880;
	s21 =	simm.s32 $0x4080  }
0xc: {  	s22 =	simm.s32 $0x4880;
	s23 =	simm.s32 $0x5080;
	s24 =	simm.s32 $0x5880  }
0xd: {  	s25 =	simm.s32 $0x6080;
	s26 =	simm.s32 $0x6880;
	s28 =	simm.s32 $0x7080  }
0xe: {  	s29 =	simm.s32 $0x7880;
	s30 =	simm.s32 $0x1;
	s11 =	sand.u32 $0x1, s4  }
0xf: {  	s4 =	simm.s32 $0x0;
	s12 =	sshll.u32 s3, $0x8;
	s13 =	sshll.u32 s11, $0x7  }
0x10: {  	[smem:$0x7FF] =	sst s4;
	s11 =	ssub.s32 $0x2, s11;
	s12 =	sor.u32 s13, s12  }
0x11: {  	_ =	strace $0x80000047;
	s31 =	sshrl.u32 s11, $0x1;
	s13 =	simm.s32 $0x80  }
0x12: {  	s14 =	sshrl.u32 s12, $0x3;
	s11 =	ssub.s32 s11, s31;
	s12 =	sshll.u32 s12, $0x5  }
0x13: {  	v2 =	vlaneseq.u32;
	s5 =	sadd.s32 s5, s14;
	s6 =	sadd.s32 s6, s12;
	s7 =	sadd.s32 s7, s14  }
0x14: {  	vm0 =	vmmov $0xffff;
	v1 =	vshrl.u32 v2, $0x3;
	s8 =	sadd.s32 s8, s12;
	s9 =	sadd.s32 s9, s14;
	s10 =	sadd.s32 s10, s12  }
0x15: {  	v0 =	vand.u32 $0x7, v2;
	v2 =	vor.u32 $0x8, v2;
	v1 =	vmul.u32 $0x8, v1;
	s11 =	smax.u32 s11, $0x1;
	s12 =	simm.s32 $0x2;
	s14 =	simm.s32 $0x880  }
.LBB2_1:
0x16: {  	[tilespmem:s4], [sflag:$0x2] =	stream.linear.gather [hbm4b:s5+s4], $0x80, $0x38;
	[tilespmem:$0x8080] =	vst v63  }
0x17: {  	_ =	swait.ge [sflag:s12], $0x80  }
0x18: {  	[sflag:s12] =	ssyncset.done $0x0  }
0x19: {  	[sflag:s12] =	ssyncadd.s32 $0xFFFFFF80  }
0x1a: {  	v3 =	vld [tilespmem:$0x0];
	_ =	sdelay $0x4  }
0x1b: {  	v4 =	vshll.u32 v3, $0x1  }
0x1c: {  	v3 =	vand.u32 $0x7, v3;
	v4 =	vand.u32 $0xFFFFFFF0, v4  }
0x1d: {  	v3 =	vor.u32 v3, v4  }
0x1e: {  	v4 =	vperm.xlane v3, v0;
	_ =	sdelay $0x1  }
0x1f: {  	v3 =	vperm.xlane v3, v2;
	v4 =	vadd.s32 v1, v4;
	_ =	sdelay $0x1  }
0x20: {  	v3 =	vadd.s32 v1, v3;
	_ =	sdelay $0x2  }
0x21: {  	[tilespmem:s13], [sflag:$0x1] =	stream.indirect_vreg.gather [hbm4b:s1+s4], $0x80, v4, vm0, $0xb8;
	[tilespmem:$0x8080] =	vst v63  }
0x22: {  	_ = 	snop  }
0x23: {  	[tilespmem:s14], [sflag:$0x1] =	stream.indirect_vreg.gather [hbm4b:s1+s4], $0x80, v3, vm0, $0xb8;
	[tilespmem:$0x8080] =	vst v63  }
0x24: {  	v3 =	vld [tilespmem:$0x10];
	_ =	sdelay $0x4  }
0x25: {  	v41 =	vshll.u32 v3, $0x1  }
0x26: {  	v3 =	vand.u32 $0x7, v3;
	v4 =	vand.u32 $0xFFFFFFF0, v41  }
0x27: {  	v3 =	vor.u32 v3, v4  }
0x28: {  	v4 =	vperm.xlane v3, v0;
	_ =	sdelay $0x1  }
0x29: {  	v3 =	vperm.xlane v3, v2;
	v4 =	vadd.s32 v1, v4;
	_ =	sdelay $0x1  }
0x2a: {  	v3 =	vadd.s32 v1, v3;
	_ =	sdelay $0x2  }
0x2b: {  	[tilespmem:s15], [sflag:$0x1] =	stream.indirect_vreg.gather [hbm4b:s1+s4], $0x80, v4, vm0, $0xb8;
	[tilespmem:$0x8080] =	vst v63  }
0x2c: {  	_ = 	snop  }
0x2d: {  	[tilespmem:s16], [sflag:$0x1] =	stream.indirect_vreg.gather [hbm4b:s1+s4], $0x80, v3, vm0, $0xb8;
	[tilespmem:$0x8080] =	vst v63  }
0x2e: {  	v3 =	vld [tilespmem:$0x20];
	_ =	sdelay $0x4  }
0x2f: {  	v42 =	vshll.u32 v3, $0x1  }
0x30: {  	v3 =	vand.u32 $0x7, v3;
	v4 =	vand.u32 $0xFFFFFFF0, v42  }
0x31: {  	v3 =	vor.u32 v3, v4  }
0x32: {  	v4 =	vperm.xlane v3, v0;
	_ =	sdelay $0x1  }
0x33: {  	v3 =	vperm.xlane v3, v2;
	v4 =	vadd.s32 v1, v4;
	_ =	sdelay $0x1  }
0x34: {  	v3 =	vadd.s32 v1, v3;
	_ =	sdelay $0x2  }
0x35: {  	[tilespmem:s17], [sflag:$0x1] =	stream.indirect_vreg.gather [hbm4b:s1+s4], $0x80, v4, vm0, $0xb8;
	[tilespmem:$0x8080] =	vst v63  }
0x36: {  	_ = 	snop  }
0x37: {  	[tilespmem:s18], [sflag:$0x1] =	stream.indirect_vreg.gather [hbm4b:s1+s4], $0x80, v3, vm0, $0xb8;
	[tilespmem:$0x8080] =	vst v63  }
0x38: {  	v3 =	vld [tilespmem:$0x30];
	_ =	sdelay $0x4  }
0x39: {  	v43 =	vshll.u32 v3, $0x1  }
0x3a: {  	v3 =	vand.u32 $0x7, v3;
	v4 =	vand.u32 $0xFFFFFFF0, v43  }
0x3b: {  	v3 =	vor.u32 v3, v4  }
0x3c: {  	v4 =	vperm.xlane v3, v0;
	_ =	sdelay $0x1  }
0x3d: {  	v3 =	vperm.xlane v3, v2;
	v4 =	vadd.s32 v1, v4;
	_ =	sdelay $0x1  }
0x3e: {  	v3 =	vadd.s32 v1, v3;
	_ =	sdelay $0x2  }
0x3f: {  	[tilespmem:s19], [sflag:$0x1] =	stream.indirect_vreg.gather [hbm4b:s1+s4], $0x80, v4, vm0, $0xb8;
	[tilespmem:$0x8080] =	vst v63  }
0x40: {  	_ = 	snop  }
0x41: {  	[tilespmem:s20], [sflag:$0x1] =	stream.indirect_vreg.gather [hbm4b:s1+s4], $0x80, v3, vm0, $0xb8;
	[tilespmem:$0x8080] =	vst v63  }
0x42: {  	v3 =	vld [tilespmem:$0x40];
	_ =	sdelay $0x4  }
0x43: {  	v44 =	vshll.u32 v3, $0x1  }
0x44: {  	v3 =	vand.u32 $0x7, v3;
	v4 =	vand.u32 $0xFFFFFFF0, v44  }
0x45: {  	v3 =	vor.u32 v3, v4  }
0x46: {  	v4 =	vperm.xlane v3, v0;
	_ =	sdelay $0x1  }
0x47: {  	v3 =	vperm.xlane v3, v2;
	v4 =	vadd.s32 v1, v4;
	_ =	sdelay $0x1  }
0x48: {  	v3 =	vadd.s32 v1, v3;
	_ =	sdelay $0x2  }
0x49: {  	[tilespmem:s21], [sflag:$0x1] =	stream.indirect_vreg.gather [hbm4b:s1+s4], $0x80, v4, vm0, $0xb8;
	[tilespmem:$0x8080] =	vst v63  }
0x4a: {  	_ = 	snop  }
0x4b: {  	[tilespmem:s22], [sflag:$0x1] =	stream.indirect_vreg.gather [hbm4b:s1+s4], $0x80, v3, vm0, $0xb8;
	[tilespmem:$0x8080] =	vst v63  }
0x4c: {  	v3 =	vld [tilespmem:$0x50];
	_ =	sdelay $0x4  }
0x4d: {  	v45 =	vshll.u32 v3, $0x1  }
0x4e: {  	v3 =	vand.u32 $0x7, v3;
	v4 =	vand.u32 $0xFFFFFFF0, v45  }
0x4f: {  	v3 =	vor.u32 v3, v4  }
0x50: {  	v4 =	vperm.xlane v3, v0;
	_ =	sdelay $0x1  }
0x51: {  	v3 =	vperm.xlane v3, v2;
	v4 =	vadd.s32 v1, v4;
	_ =	sdelay $0x1  }
0x52: {  	v3 =	vadd.s32 v1, v3;
	_ =	sdelay $0x2  }
0x53: {  	[tilespmem:s23], [sflag:$0x1] =	stream.indirect_vreg.gather [hbm4b:s1+s4], $0x80, v4, vm0, $0xb8;
	[tilespmem:$0x8080] =	vst v63  }
0x54: {  	_ = 	snop  }
0x55: {  	[tilespmem:s24], [sflag:$0x1] =	stream.indirect_vreg.gather [hbm4b:s1+s4], $0x80, v3, vm0, $0xb8;
	[tilespmem:$0x8080] =	vst v63  }
0x56: {  	v3 =	vld [tilespmem:$0x60];
	_ =	sdelay $0x4  }
0x57: {  	v46 =	vshll.u32 v3, $0x1  }
0x58: {  	v3 =	vand.u32 $0x7, v3;
	v4 =	vand.u32 $0xFFFFFFF0, v46  }
0x59: {  	v3 =	vor.u32 v3, v4  }
0x5a: {  	v4 =	vperm.xlane v3, v0;
	_ =	sdelay $0x1  }
0x5b: {  	v3 =	vperm.xlane v3, v2;
	v4 =	vadd.s32 v1, v4;
	_ =	sdelay $0x1  }
0x5c: {  	v3 =	vadd.s32 v1, v3;
	_ =	sdelay $0x2  }
0x5d: {  	[tilespmem:s25], [sflag:$0x1] =	stream.indirect_vreg.gather [hbm4b:s1+s4], $0x80, v4, vm0, $0xb8;
	[tilespmem:$0x8080] =	vst v63  }
0x5e: {  	_ = 	snop  }
0x5f: {  	[tilespmem:s26], [sflag:$0x1] =	stream.indirect_vreg.gather [hbm4b:s1+s4], $0x80, v3, vm0, $0xb8;
	[tilespmem:$0x8080] =	vst v63  }
0x60: {  	v3 =	vld [tilespmem:$0x70];
	_ =	sdelay $0x4  }
0x61: {  	v47 =	vshll.u32 v3, $0x1  }
0x62: {  	v3 =	vand.u32 $0x7, v3;
	v4 =	vand.u32 $0xFFFFFFF0, v47  }
0x63: {  	v3 =	vor.u32 v3, v4  }
0x64: {  	v4 =	vperm.xlane v3, v0;
	_ =	sdelay $0x1  }
0x65: {  	v3 =	vperm.xlane v3, v2;
	v4 =	vadd.s32 v1, v4;
	_ =	sdelay $0x1  }
0x66: {  	v3 =	vadd.s32 v1, v3;
	_ =	sdelay $0x2  }
0x67: {  	[tilespmem:s28], [sflag:$0x1] =	stream.indirect_vreg.gather [hbm4b:s1+s4], $0x80, v4, vm0, $0xb8;
	[tilespmem:$0x8080] =	vst v63  }
0x68: {  	_ = 	snop  }
0x69: {  	[tilespmem:s29], [sflag:$0x1] =	stream.indirect_vreg.gather [hbm4b:s1+s4], $0x80, v3, vm0, $0xb8;
	[tilespmem:$0x8080] =	vst v63  }
0x6a: {  	_ =	swait.ge [sflag:s30], $0x8000  }
0x6b: {  	[sflag:s30] =	ssyncset.done $0x0  }
0x6c: {  	[sflag:s30] =	ssyncadd.s32 $0xFFFF8000  }
0x6d: {  	[hbm4b:s6+s4] =	stream.linear.scatter [tilespmem:s13], [sflag:$0x2], $0x8000, $0x38;
	[tilespmem:$0x8080] =	vst v63  }
0x6e: {  	_ =	swait.ge [sflag:s12], $0x8000  }
0x6f: {  	[sflag:s12] =	ssyncset.done $0x0  }
0x70: {  	[sflag:s12] =	ssyncadd.s32 $0xFFFF8000  }
0x71: {  	[tilespmem:s4], [sflag:$0x2] =	stream.linear.gather [hbm4b:s7+s4], $0x80, $0x38;
	[tilespmem:$0x8080] =	vst v63  }
0x72: {  	_ =	swait.ge [sflag:s12], $0x80  }
0x73: {  	[sflag:s12] =	ssyncset.done $0x0  }
0x74: {  	[sflag:s12] =	ssyncadd.s32 $0xFFFFFF80  }
0x75: {  	v3 =	vld [tilespmem:$0x0];
	_ =	sdelay $0x4  }
0x76: {  	v48 =	vshll.u32 v3, $0x1  }
0x77: {  	v3 =	vand.u32 $0x7, v3;
	v4 =	vand.u32 $0xFFFFFFF0, v48  }
0x78: {  	v3 =	vor.u32 v3, v4  }
0x79: {  	v4 =	vperm.xlane v3, v0;
	_ =	sdelay $0x1  }
0x7a: {  	v3 =	vperm.xlane v3, v2;
	v4 =	vadd.s32 v1, v4;
	_ =	sdelay $0x1  }
0x7b: {  	v3 =	vadd.s32 v1, v3;
	_ =	sdelay $0x2  }
0x7c: {  	[tilespmem:s13], [sflag:$0x1] =	stream.indirect_vreg.gather [hbm4b:s2+s4], $0x80, v4, vm0, $0xb8;
	[tilespmem:$0x8080] =	vst v63  }
0x7d: {  	_ = 	snop  }
0x7e: {  	[tilespmem:s14], [sflag:$0x1] =	stream.indirect_vreg.gather [hbm4b:s2+s4], $0x80, v3, vm0, $0xb8;
	[tilespmem:$0x8080] =	vst v63  }
0x7f: {  	v3 =	vld [tilespmem:$0x10];
	_ =	sdelay $0x4  }
0x80: {  	v49 =	vshll.u32 v3, $0x1  }
0x81: {  	v3 =	vand.u32 $0x7, v3;
	v4 =	vand.u32 $0xFFFFFFF0, v49  }
0x82: {  	v3 =	vor.u32 v3, v4  }
0x83: {  	v4 =	vperm.xlane v3, v0;
	_ =	sdelay $0x1  }
0x84: {  	v3 =	vperm.xlane v3, v2;
	v4 =	vadd.s32 v1, v4;
	_ =	sdelay $0x1  }
0x85: {  	v3 =	vadd.s32 v1, v3;
	_ =	sdelay $0x2  }
0x86: {  	[tilespmem:s15], [sflag:$0x1] =	stream.indirect_vreg.gather [hbm4b:s2+s4], $0x80, v4, vm0, $0xb8;
	[tilespmem:$0x8080] =	vst v63  }
0x87: {  	_ = 	snop  }
0x88: {  	[tilespmem:s16], [sflag:$0x1] =	stream.indirect_vreg.gather [hbm4b:s2+s4], $0x80, v3, vm0, $0xb8;
	[tilespmem:$0x8080] =	vst v63  }
0x89: {  	v3 =	vld [tilespmem:$0x20];
	_ =	sdelay $0x4  }
0x8a: {  	v50 =	vshll.u32 v3, $0x1  }
0x8b: {  	v3 =	vand.u32 $0x7, v3;
	v4 =	vand.u32 $0xFFFFFFF0, v50  }
0x8c: {  	v3 =	vor.u32 v3, v4  }
0x8d: {  	v4 =	vperm.xlane v3, v0;
	_ =	sdelay $0x1  }
0x8e: {  	v3 =	vperm.xlane v3, v2;
	v4 =	vadd.s32 v1, v4;
	_ =	sdelay $0x1  }
0x8f: {  	v3 =	vadd.s32 v1, v3;
	_ =	sdelay $0x2  }
0x90: {  	[tilespmem:s17], [sflag:$0x1] =	stream.indirect_vreg.gather [hbm4b:s2+s4], $0x80, v4, vm0, $0xb8;
	[tilespmem:$0x8080] =	vst v63  }
0x91: {  	_ = 	snop  }
0x92: {  	[tilespmem:s18], [sflag:$0x1] =	stream.indirect_vreg.gather [hbm4b:s2+s4], $0x80, v3, vm0, $0xb8;
	[tilespmem:$0x8080] =	vst v63  }
0x93: {  	v3 =	vld [tilespmem:$0x30];
	_ =	sdelay $0x4  }
0x94: {  	v51 =	vshll.u32 v3, $0x1  }
0x95: {  	v3 =	vand.u32 $0x7, v3;
	v4 =	vand.u32 $0xFFFFFFF0, v51  }
0x96: {  	v3 =	vor.u32 v3, v4  }
0x97: {  	v4 =	vperm.xlane v3, v0;
	_ =	sdelay $0x1  }
0x98: {  	v3 =	vperm.xlane v3, v2;
	v4 =	vadd.s32 v1, v4;
	_ =	sdelay $0x1  }
0x99: {  	v3 =	vadd.s32 v1, v3;
	_ =	sdelay $0x2  }
0x9a: {  	[tilespmem:s19], [sflag:$0x1] =	stream.indirect_vreg.gather [hbm4b:s2+s4], $0x80, v4, vm0, $0xb8;
	[tilespmem:$0x8080] =	vst v63  }
0x9b: {  	_ = 	snop  }
0x9c: {  	[tilespmem:s20], [sflag:$0x1] =	stream.indirect_vreg.gather [hbm4b:s2+s4], $0x80, v3, vm0, $0xb8;
	[tilespmem:$0x8080] =	vst v63  }
0x9d: {  	v3 =	vld [tilespmem:$0x40];
	_ =	sdelay $0x4  }
0x9e: {  	v52 =	vshll.u32 v3, $0x1  }
0x9f: {  	v3 =	vand.u32 $0x7, v3;
	v4 =	vand.u32 $0xFFFFFFF0, v52  }
0xa0: {  	v3 =	vor.u32 v3, v4  }
0xa1: {  	v4 =	vperm.xlane v3, v0;
	_ =	sdelay $0x1  }
0xa2: {  	v3 =	vperm.xlane v3, v2;
	v4 =	vadd.s32 v1, v4;
	_ =	sdelay $0x1  }
0xa3: {  	v3 =	vadd.s32 v1, v3;
	_ =	sdelay $0x2  }
0xa4: {  	[tilespmem:s21], [sflag:$0x1] =	stream.indirect_vreg.gather [hbm4b:s2+s4], $0x80, v4, vm0, $0xb8;
	[tilespmem:$0x8080] =	vst v63  }
0xa5: {  	_ = 	snop  }
0xa6: {  	[tilespmem:s22], [sflag:$0x1] =	stream.indirect_vreg.gather [hbm4b:s2+s4], $0x80, v3, vm0, $0xb8;
	[tilespmem:$0x8080] =	vst v63  }
0xa7: {  	v3 =	vld [tilespmem:$0x50];
	_ =	sdelay $0x4  }
0xa8: {  	v53 =	vshll.u32 v3, $0x1  }
0xa9: {  	v3 =	vand.u32 $0x7, v3;
	v4 =	vand.u32 $0xFFFFFFF0, v53  }
0xaa: {  	v3 =	vor.u32 v3, v4  }
0xab: {  	v4 =	vperm.xlane v3, v0;
	_ =	sdelay $0x1  }
0xac: {  	v3 =	vperm.xlane v3, v2;
	v4 =	vadd.s32 v1, v4;
	_ =	sdelay $0x1  }
0xad: {  	v3 =	vadd.s32 v1, v3;
	_ =	sdelay $0x2  }
0xae: {  	[tilespmem:s23], [sflag:$0x1] =	stream.indirect_vreg.gather [hbm4b:s2+s4], $0x80, v4, vm0, $0xb8;
	[tilespmem:$0x8080] =	vst v63  }
0xaf: {  	_ = 	snop  }
0xb0: {  	[tilespmem:s24], [sflag:$0x1] =	stream.indirect_vreg.gather [hbm4b:s2+s4], $0x80, v3, vm0, $0xb8;
	[tilespmem:$0x8080] =	vst v63  }
0xb1: {  	v3 =	vld [tilespmem:$0x60];
	_ =	sdelay $0x4  }
0xb2: {  	v54 =	vshll.u32 v3, $0x1  }
0xb3: {  	v3 =	vand.u32 $0x7, v3;
	v4 =	vand.u32 $0xFFFFFFF0, v54  }
0xb4: {  	v3 =	vor.u32 v3, v4  }
0xb5: {  	v4 =	vperm.xlane v3, v0;
	_ =	sdelay $0x1  }
0xb6: {  	v3 =	vperm.xlane v3, v2;
	v4 =	vadd.s32 v1, v4;
	_ =	sdelay $0x1  }
0xb7: {  	v3 =	vadd.s32 v1, v3;
	_ =	sdelay $0x2  }
0xb8: {  	[tilespmem:s25], [sflag:$0x1] =	stream.indirect_vreg.gather [hbm4b:s2+s4], $0x80, v4, vm0, $0xb8;
	[tilespmem:$0x8080] =	vst v63  }
0xb9: {  	_ = 	snop  }
0xba: {  	[tilespmem:s26], [sflag:$0x1] =	stream.indirect_vreg.gather [hbm4b:s2+s4], $0x80, v3, vm0, $0xb8;
	[tilespmem:$0x8080] =	vst v63  }
0xbb: {  	v3 =	vld [tilespmem:$0x70];
	_ =	sdelay $0x4  }
0xbc: {  	v55 =	vshll.u32 v3, $0x1  }
0xbd: {  	v3 =	vand.u32 $0x7, v3;
	v4 =	vand.u32 $0xFFFFFFF0, v55  }
0xbe: {  	v3 =	vor.u32 v3, v4  }
0xbf: {  	v4 =	vperm.xlane v3, v0;
	_ =	sdelay $0x1  }
0xc0: {  	v3 =	vperm.xlane v3, v2;
	v4 =	vadd.s32 v1, v4;
	_ =	sdelay $0x1  }
0xc1: {  	v3 =	vadd.s32 v1, v3;
	_ =	sdelay $0x2  }
0xc2: {  	[tilespmem:s28], [sflag:$0x1] =	stream.indirect_vreg.gather [hbm4b:s2+s4], $0x80, v4, vm0, $0xb8;
	[tilespmem:$0x8080] =	vst v63  }
0xc3: {  	_ = 	snop  }
0xc4: {  	[tilespmem:s29], [sflag:$0x1] =	stream.indirect_vreg.gather [hbm4b:s2+s4], $0x80, v3, vm0, $0xb8;
	[tilespmem:$0x8080] =	vst v63  }
0xc5: {  	_ =	swait.ge [sflag:s30], $0x8000  }
0xc6: {  	[sflag:s30] =	ssyncset.done $0x0  }
0xc7: {  	[sflag:s30] =	ssyncadd.s32 $0xFFFF8000  }
0xc8: {  	[hbm4b:s8+s4] =	stream.linear.scatter [tilespmem:s13], [sflag:$0x2], $0x8000, $0x38;
	[tilespmem:$0x8080] =	vst v63  }
0xc9: {  	_ =	swait.ge [sflag:s12], $0x8000  }
0xca: {  	[sflag:s12] =	ssyncset.done $0x0  }
0xcb: {  	[sflag:s12] =	ssyncadd.s32 $0xFFFF8000  }
0xcc: {  	[tilespmem:s4], [sflag:$0x2] =	stream.linear.gather [hbm4b:s9+s4], $0x80, $0x38;
	[tilespmem:$0x8080] =	vst v63  }
0xcd: {  	_ =	swait.ge [sflag:s12], $0x80  }
0xce: {  	[sflag:s12] =	ssyncset.done $0x0  }
0xcf: {  	[sflag:s12] =	ssyncadd.s32 $0xFFFFFF80  }
0xd0: {  	v3 =	vld [tilespmem:$0x0];
	_ =	sdelay $0x4  }
0xd1: {  	v56 =	vshll.u32 v3, $0x1  }
0xd2: {  	v3 =	vand.u32 $0x7, v3;
	v4 =	vand.u32 $0xFFFFFFF0, v56  }
0xd3: {  	v3 =	vor.u32 v3, v4  }
0xd4: {  	v4 =	vperm.xlane v3, v0;
	_ =	sdelay $0x1  }
0xd5: {  	v3 =	vperm.xlane v3, v2;
	v4 =	vadd.s32 v1, v4;
	_ =	sdelay $0x1  }
0xd6: {  	v3 =	vadd.s32 v1, v3;
	_ =	sdelay $0x2  }
0xd7: {  	[tilespmem:s13], [sflag:$0x1] =	stream.indirect_vreg.gather [hbm4b:s1+s4], $0x80, v4, vm0, $0xb8;
	[tilespmem:$0x8080] =	vst v63  }
0xd8: {  	_ = 	snop  }
0xd9: {  	[tilespmem:s14], [sflag:$0x1] =	stream.indirect_vreg.gather [hbm4b:s1+s4], $0x80, v3, vm0, $0xb8;
	[tilespmem:$0x8080] =	vst v63  }
0xda: {  	v3 =	vld [tilespmem:$0x10];
	_ =	sdelay $0x4  }
0xdb: {  	v57 =	vshll.u32 v3, $0x1  }
0xdc: {  	v3 =	vand.u32 $0x7, v3;
	v4 =	vand.u32 $0xFFFFFFF0, v57  }
0xdd: {  	v3 =	vor.u32 v3, v4  }
0xde: {  	v4 =	vperm.xlane v3, v0;
	_ =	sdelay $0x1  }
0xdf: {  	v3 =	vperm.xlane v3, v2;
	v4 =	vadd.s32 v1, v4;
	_ =	sdelay $0x1  }
0xe0: {  	v3 =	vadd.s32 v1, v3;
	_ =	sdelay $0x2  }
0xe1: {  	[tilespmem:s15], [sflag:$0x1] =	stream.indirect_vreg.gather [hbm4b:s1+s4], $0x80, v4, vm0, $0xb8;
	[tilespmem:$0x8080] =	vst v63  }
0xe2: {  	_ = 	snop  }
0xe3: {  	[tilespmem:s16], [sflag:$0x1] =	stream.indirect_vreg.gather [hbm4b:s1+s4], $0x80, v3, vm0, $0xb8;
	[tilespmem:$0x8080] =	vst v63  }
0xe4: {  	v3 =	vld [tilespmem:$0x20];
	_ =	sdelay $0x4  }
0xe5: {  	v58 =	vshll.u32 v3, $0x1  }
0xe6: {  	v3 =	vand.u32 $0x7, v3;
	v4 =	vand.u32 $0xFFFFFFF0, v58  }
0xe7: {  	v3 =	vor.u32 v3, v4  }
0xe8: {  	v4 =	vperm.xlane v3, v0;
	_ =	sdelay $0x1  }
0xe9: {  	v3 =	vperm.xlane v3, v2;
	v4 =	vadd.s32 v1, v4;
	_ =	sdelay $0x1  }
0xea: {  	v3 =	vadd.s32 v1, v3;
	_ =	sdelay $0x2  }
0xeb: {  	[tilespmem:s17], [sflag:$0x1] =	stream.indirect_vreg.gather [hbm4b:s1+s4], $0x80, v4, vm0, $0xb8;
	[tilespmem:$0x8080] =	vst v63  }
0xec: {  	_ = 	snop  }
0xed: {  	[tilespmem:s18], [sflag:$0x1] =	stream.indirect_vreg.gather [hbm4b:s1+s4], $0x80, v3, vm0, $0xb8;
	[tilespmem:$0x8080] =	vst v63  }
0xee: {  	v3 =	vld [tilespmem:$0x30];
	_ =	sdelay $0x4  }
0xef: {  	v59 =	vshll.u32 v3, $0x1  }
0xf0: {  	v3 =	vand.u32 $0x7, v3;
	v4 =	vand.u32 $0xFFFFFFF0, v59  }
0xf1: {  	v3 =	vor.u32 v3, v4  }
0xf2: {  	v4 =	vperm.xlane v3, v0;
	_ =	sdelay $0x1  }
0xf3: {  	v3 =	vperm.xlane v3, v2;
	v4 =	vadd.s32 v1, v4;
	_ =	sdelay $0x1  }
0xf4: {  	v3 =	vadd.s32 v1, v3;
	_ =	sdelay $0x2  }
0xf5: {  	[tilespmem:s19], [sflag:$0x1] =	stream.indirect_vreg.gather [hbm4b:s1+s4], $0x80, v4, vm0, $0xb8;
	[tilespmem:$0x8080] =	vst v63  }
0xf6: {  	_ = 	snop  }
0xf7: {  	[tilespmem:s20], [sflag:$0x1] =	stream.indirect_vreg.gather [hbm4b:s1+s4], $0x80, v3, vm0, $0xb8;
	[tilespmem:$0x8080] =	vst v63  }
0xf8: {  	v3 =	vld [tilespmem:$0x40];
	_ =	sdelay $0x4  }
0xf9: {  	v60 =	vshll.u32 v3, $0x1  }
0xfa: {  	v3 =	vand.u32 $0x7, v3;
	v4 =	vand.u32 $0xFFFFFFF0, v60  }
0xfb: {  	v3 =	vor.u32 v3, v4  }
0xfc: {  	v4 =	vperm.xlane v3, v0;
	_ =	sdelay $0x1  }
0xfd: {  	v3 =	vperm.xlane v3, v2;
	v4 =	vadd.s32 v1, v4;
	_ =	sdelay $0x1  }
0xfe: {  	v3 =	vadd.s32 v1, v3;
	_ =	sdelay $0x2  }
0xff: {  	[tilespmem:s21], [sflag:$0x1] =	stream.indirect_vreg.gather [hbm4b:s1+s4], $0x80, v4, vm0, $0xb8;
	[tilespmem:$0x8080] =	vst v63  }
0x100: {  	_ = 	snop  }
0x101: {  	[tilespmem:s22], [sflag:$0x1] =	stream.indirect_vreg.gather [hbm4b:s1+s4], $0x80, v3, vm0, $0xb8;
	[tilespmem:$0x8080] =	vst v63  }
0x102: {  	v3 =	vld [tilespmem:$0x50];
	_ =	sdelay $0x4  }
0x103: {  	v61 =	vshll.u32 v3, $0x1  }
0x104: {  	v3 =	vand.u32 $0x7, v3;
	v4 =	vand.u32 $0xFFFFFFF0, v61  }
0x105: {  	v3 =	vor.u32 v3, v4  }
0x106: {  	v4 =	vperm.xlane v3, v0;
	_ =	sdelay $0x1  }
0x107: {  	v3 =	vperm.xlane v3, v2;
	v4 =	vadd.s32 v1, v4;
	_ =	sdelay $0x1  }
0x108: {  	v3 =	vadd.s32 v1, v3;
	_ =	sdelay $0x2  }
0x109: {  	[tilespmem:s23], [sflag:$0x1] =	stream.indirect_vreg.gather [hbm4b:s1+s4], $0x80, v4, vm0, $0xb8;
	[tilespmem:$0x8080] =	vst v63  }
0x10a: {  	_ = 	snop  }
0x10b: {  	[tilespmem:s24], [sflag:$0x1] =	stream.indirect_vreg.gather [hbm4b:s1+s4], $0x80, v3, vm0, $0xb8;
	[tilespmem:$0x8080] =	vst v63  }
0x10c: {  	v3 =	vld [tilespmem:$0x60];
	_ =	sdelay $0x4  }
0x10d: {  	v62 =	vshll.u32 v3, $0x1  }
0x10e: {  	v3 =	vand.u32 $0x7, v3;
	v4 =	vand.u32 $0xFFFFFFF0, v62  }
0x10f: {  	v3 =	vor.u32 v3, v4  }
0x110: {  	v4 =	vperm.xlane v3, v0;
	_ =	sdelay $0x1  }
0x111: {  	v3 =	vperm.xlane v3, v2;
	v4 =	vadd.s32 v1, v4;
	_ =	sdelay $0x1  }
0x112: {  	v3 =	vadd.s32 v1, v3;
	_ =	sdelay $0x2  }
0x113: {  	[tilespmem:s25], [sflag:$0x1] =	stream.indirect_vreg.gather [hbm4b:s1+s4], $0x80, v4, vm0, $0xb8;
	[tilespmem:$0x8080] =	vst v63  }
0x114: {  	_ = 	snop  }
0x115: {  	[tilespmem:s26], [sflag:$0x1] =	stream.indirect_vreg.gather [hbm4b:s1+s4], $0x80, v3, vm0, $0xb8;
	[tilespmem:$0x8080] =	vst v63  }
0x116: {  	v3 =	vld [tilespmem:$0x70];
	_ =	sdelay $0x4  }
0x117: {  	v63 =	vshll.u32 v3, $0x1  }
0x118: {  	v3 =	vand.u32 $0x7, v3;
	v4 =	vand.u32 $0xFFFFFFF0, v63  }
0x119: {  	v3 =	vor.u32 v3, v4  }
0x11a: {  	v4 =	vperm.xlane v3, v0;
	_ =	sdelay $0x1  }
0x11b: {  	v3 =	vperm.xlane v3, v2;
	v4 =	vadd.s32 v1, v4;
	_ =	sdelay $0x1  }
0x11c: {  	v3 =	vadd.s32 v1, v3;
	_ =	sdelay $0x2  }
0x11d: {  	[tilespmem:s28], [sflag:$0x1] =	stream.indirect_vreg.gather [hbm4b:s1+s4], $0x80, v4, vm0, $0xb8;
	[tilespmem:$0x8080] =	vst v63  }
0x11e: {  	_ = 	snop  }
0x11f: {  	[tilespmem:s29], [sflag:$0x1] =	stream.indirect_vreg.gather [hbm4b:s1+s4], $0x80, v3, vm0, $0xb8;
	[tilespmem:$0x8080] =	vst v63  }
0x120: {  	_ =	swait.ge [sflag:s30], $0x8000  }
0x121: {  	p0 =	sne.s32 s11, $0x1;
	[sflag:s30] =	ssyncset.done $0x0  }
.Ltmp0:
0x122: {  	[sflag:s30] =	ssyncadd.s32 $0xFFFF8000;
	(pc) =	sbr.rel @p0 .LBB2_1-.Ltmp0, $4  }
0x123: {  	[hbm4b:s10+s4] =	stream.linear.scatter [tilespmem:s13], [sflag:$0x2], $0x8000, $0x38;
	[tilespmem:$0x8080] =	vst v63  }
0x124: {  	_ =	swait.ge [sflag:s12], $0x8000  }
0x125: {  	[sflag:s12] =	ssyncset.done $0x0  }
0x126: {  	s11 =	sadd.s32 $0xFFFFFFFF, s11;
	[sflag:s12] =	ssyncadd.s32 $0xFFFF8000  }
0x127: {  	_ =	sfence.sel $0x180000  }
0x128: {  	[bflag:$0x0] =	sbarrier.arrive $0xFFFF  }
0x129: {  	p0 =	sne.s32 s3, $0x0;
	_ =	strace $0x90000047  }
0x12a: {  	s0 =	sadd.s32 @!p0 $0x100000, s0;
	[bflag:$0x2] =	sbarrier.arrive $0xFFFF  }
0x12b: {  	[sflag:s0] =	ssyncadd.tile.s32 @!p0 $0x1;
	_ =	shalt  }
.Lfunc_end2:
_tile_overlayer_lowered:
.L_overlay_start_2:
0x12c: {  	(tag) =	ssettag $0x2  }
0x12d: {  	s0 =	rddreg [dreg:$0x0];
	s2 =	stileid.u32  }
0x12e: {  	s1 =	rddreg [dreg:$0x1];
	p0 =	sne.s32 s2, $0x0  }
0x12f: {  	s3 =	rddreg [dreg:$0x2];
	[bflag:$0x3] =	sbarrier.arrive $0xFFFF;
	s2 =	simm.s32 @!p0 $0x1C02  }
0x130: {  	[timem:s3], [sflag:s2] =	dma.local @!p0 [hbm:s0], s1  }
0x131: {  	s0 =	simm.s32 @!p0 $0x2  }
0x132: {  	_ =	swait.ge @!p0 [sflag:s0], s1  }
0x133: {  	s1 =	ssub.s32 @!p0 $0x0, s1;
	[sflag:s0] =	ssyncset.done @!p0 $0x0  }
0x134: {  	[sflag:s0] =	ssyncadd.s32 @!p0 s1  }
0x135: {  	[bflag:$0x3] =	sbarrier.arrive $0xFFFF  }
0x136: {  	_ =	shalt  }

</sc_bundles>
